<compile_context>
chip_gen: v7x
topology: tpu7x:2x2x1
jax: 0.10.2.dev20260603
libtpu: 0.0.44.dev20260713+nightly
codegen_flags: <defaults>
</compile_context>

<pallas_src>
import functools

import jax
import jax.numpy as jnp
from jax import lax
from jax.experimental import pallas as pl
from jax.experimental.pallas import tpu as pltpu
from jax.experimental.pallas import tpu_sc as plsc

_EMBED = 32
_NC = 2
_NS = 16
_NW = _NC * _NS
_CHUNK = 800
_NBUF = 4


@functools.lru_cache(maxsize=None)
def _build(B: int):
    b_per_w = B // _NW
    n_chunks = b_per_w // _CHUNK
    assert B % (8 * _NW) == 0 and b_per_w % _CHUNK == 0
    assert n_chunks % _NBUF == 0 and n_chunks // _NBUF >= 2

    mesh = plsc.VectorSubcoreMesh(core_axis_name="c", subcore_axis_name="s")

    scratch = (
        [pltpu.VMEM((_CHUNK,), jnp.int32) for _ in range(_NBUF)]
        + [pltpu.VMEM((_CHUNK, _EMBED), jnp.float32) for _ in range(_NBUF)]
        + [pltpu.SemaphoreType.DMA for _ in range(2 * _NBUF)]
    )

    @functools.partial(
        pl.kernel,
        mesh=mesh,
        out_type=jax.ShapeDtypeStruct((B, _EMBED), jnp.float32),
        compiler_params=pltpu.CompilerParams(use_tc_tiling_on_sc=False),
        scratch_types=scratch,
    )
    def gather_k(idx_hbm, table_hbm, out_hbm, *refs):
        idx_v = refs[0:_NBUF]
        rows_v = refs[_NBUF:2 * _NBUF]
        gsem = refs[2 * _NBUF:3 * _NBUF]
        ssem = refs[3 * _NBUF:4 * _NBUF]

        wid = lax.axis_index("s") * _NC + lax.axis_index("c")
        base = wid * b_per_w

        def out_slice(g):
            off = base + g * _CHUNK
            return out_hbm.at[pl.ds(off, _CHUNK)]

        def fire(g, s, wait_store):
            if wait_store:
                pltpu.make_async_copy(
                    rows_v[s], out_slice(g - _NBUF), ssem[s]).wait()
            off = base + g * _CHUNK
            pltpu.sync_copy(idx_hbm.at[pl.ds(off, _CHUNK)], idx_v[s])
            pltpu.async_copy(table_hbm.at[idx_v[s]], rows_v[s], gsem[s])

        def drain(g, s):
            pltpu.make_async_copy(
                table_hbm.at[idx_v[s]], rows_v[s], gsem[s]).wait()
            pltpu.async_copy(rows_v[s], out_slice(g), ssem[s])

        for s in range(_NBUF):
            fire(s, s, wait_store=False)

        def body(j, carry):
            g0 = j * _NBUF
            for s in range(_NBUF):
                drain(g0 + s, s)
            for s in range(_NBUF):
                fire(g0 + _NBUF + s, s, wait_store=True)
            return carry

        lax.fori_loop(0, n_chunks // _NBUF - 1, body, 0)

        g0 = n_chunks - _NBUF
        for s in range(_NBUF):
            drain(g0 + s, s)
        for s in range(_NBUF):
            pltpu.make_async_copy(
                rows_v[s], out_slice(g0 + s), ssem[s]).wait()

    return gather_k


@functools.lru_cache(maxsize=None)
def _tc_transpose(rows: int, cols: int, bc: int):
    w = cols // 128

    def tkern(x_ref, o_ref):
        x = x_ref[...].reshape(bc, w, 128)
        o_ref[...] = jnp.transpose(x, (1, 2, 0)).reshape(cols, bc)

    return pl.pallas_call(
        tkern,
        grid=(rows // bc,),
        in_specs=[pl.BlockSpec((bc * w, 128), lambda i: (i, 0))],
        out_specs=pl.BlockSpec((cols, bc), lambda i: (0, i)),
        out_shape=jax.ShapeDtypeStruct((cols, rows), jnp.float32),
    )


def kernel(a, table):
    batch, hist = a.shape
    B = batch * hist
    idx = a.reshape(B).astype(jnp.int32)
    out = _build(B)(idx, table)
    x = out.reshape(batch * hist * _EMBED // 128, 128)
    t = _tc_transpose(batch, hist * _EMBED, 128)(x)
    return jnp.transpose(t.reshape(hist, _EMBED, batch), (2, 0, 1))

# --- scband reference (transcript-rebuilt; emitter-appended) ---
"""Pipeline reference for scband-action-encoder-47382079209720 (READ-ONLY COPY).

The authoritative reference and input builder live on the scoring server;
editing this copy changes nothing except your own understanding.
"""

import jax, jax.numpy as jnp
import numpy as np

ACTION_DIM = 1000000
EMBED_DIM = 32
BATCH = 16384
HIST = 200


def setup_inputs(seed: int = 0) -> dict:
    key = jax.random.key(seed)
    k_idx, k_tab = jax.random.split(key)
    a = jax.random.randint(k_idx, (BATCH, HIST), 0, ACTION_DIM, dtype=jnp.int64 if jax.config.jax_enable_x64 else jnp.int32)
    table = jax.random.normal(k_tab, (ACTION_DIM, EMBED_DIM), dtype=jnp.float32)
    return {"a": a, "table": table}


def reference(a, table):
    # nn.Embedding forward: row gather from the embedding table
    return jnp.take(table, a, axis=0)

if __name__ == "__main__":
    import jax
    _d = setup_inputs()
    print(jax.jit(kernel)(*tuple(_d.values())))

</pallas_src>

<mosaic_0001>
#map = affine_map<(d0, d1) -> (0)>
#map1 = affine_map<(d0, d1) -> (0, 0)>
module attributes {stable_mosaic.version = 14 : i64} {
  func.func @gather_k(%arg0: i32, %arg1: i32, %arg2: memref<3276800xi32, #tpu.memory_space<hbm>>, %arg3: memref<1000000x32xf32, #tpu.memory_space<hbm>>, %arg4: memref<3276800x32xf32, #tpu.memory_space<hbm>>, %arg5: memref<800xi32, #tpu.memory_space<vmem>>, %arg6: memref<800xi32, #tpu.memory_space<vmem>>, %arg7: memref<800xi32, #tpu.memory_space<vmem>>, %arg8: memref<800xi32, #tpu.memory_space<vmem>>, %arg9: memref<800x32xf32, #tpu.memory_space<vmem>>, %arg10: memref<800x32xf32, #tpu.memory_space<vmem>>, %arg11: memref<800x32xf32, #tpu.memory_space<vmem>>, %arg12: memref<800x32xf32, #tpu.memory_space<vmem>>, %arg13: memref<!tpu.dma_semaphore, #tpu.memory_space<semaphore_mem>>, %arg14: memref<!tpu.dma_semaphore, #tpu.memory_space<semaphore_mem>>, %arg15: memref<!tpu.dma_semaphore, #tpu.memory_space<semaphore_mem>>, %arg16: memref<!tpu.dma_semaphore, #tpu.memory_space<semaphore_mem>>, %arg17: memref<!tpu.dma_semaphore, #tpu.memory_space<semaphore_mem>>, %arg18: memref<!tpu.dma_semaphore, #tpu.memory_space<semaphore_mem>>, %arg19: memref<!tpu.dma_semaphore, #tpu.memory_space<semaphore_mem>>, %arg20: memref<!tpu.dma_semaphore, #tpu.memory_space<semaphore_mem>>) attributes {dimension_semantics = [#tpu.dimension_semantics<core_parallel>, #tpu.dimension_semantics<subcore_parallel>], iteration_bounds = array<i64: 2, 16>, scalar_prefetch = 0 : i64, scratch_operands = 16 : i64, tpu.core_type = #tpu.core_type<sc_vector_subcore>, window_params = [{transform_indices = #map}, {transform_indices = #map1}, {transform_indices = #map1}]} {
    %mul3A = arith.constant 2 : i32
    %mul3A_0 = arith.muli %arg1, %mul3A : i32
    %add3A = arith.addi %mul3A_0, %arg0 : i32
    %mul3A_1 = arith.constant 102400 : i32
    %mul3A_2 = arith.muli %add3A, %mul3A_1 : i32
    %add3A_3 = arith.constant 0 : i32
    %add3A_4 = arith.addi %mul3A_2, %add3A_3 : i32
    "tpu.region"() ({
      %run_scoped3A = tpu.sem_alloc : memref<!tpu.dma_semaphore, #tpu.memory_space<semaphore_mem>>
      %dma_start3A_86 = tpu.memref_slice %arg2[%add3A_4] : memref<3276800xi32, #tpu.memory_space<hbm>> -> memref<800xi32, #tpu.memory_space<hbm>>
      %dma_start3A_87 = tpu.memref_slice %arg2[%add3A_4] : memref<3276800xi32, #tpu.memory_space<hbm>> -> memref<800xi32, #tpu.memory_space<hbm>>
      tpu.enqueue_dma source(%dma_start3A_87 : memref<800xi32, #tpu.memory_space<hbm>>) target(%arg5 : memref<800xi32, #tpu.memory_space<vmem>>) target_semaphore(%run_scoped3A : memref<!tpu.dma_semaphore, #tpu.memory_space<semaphore_mem>>)
      %dma_wait3A_88 = tpu.memref_slice %arg2[%add3A_4] : memref<3276800xi32, #tpu.memory_space<hbm>> -> memref<800xi32, #tpu.memory_space<hbm>>
      %dma_wait3A_89 = tpu.memref_slice %arg2[%add3A_4] : memref<3276800xi32, #tpu.memory_space<hbm>> -> memref<800xi32, #tpu.memory_space<hbm>>
      tpu.wait_dma2 semaphore(%run_scoped3A : memref<!tpu.dma_semaphore, #tpu.memory_space<semaphore_mem>>) src(%dma_wait3A_89 : memref<800xi32, #tpu.memory_space<hbm>>) dst(%arg5 : memref<800xi32, #tpu.memory_space<vmem>>)
      tpu.yield
    }) : () -> ()
    %dma_start3A = arith.constant 0 : i32
    %dma_start3A_5 = arith.constant 0 : i32
    %dma_start3A_6 = tpu.memref_slice %arg3[%dma_start3A, %dma_start3A_5] : memref<1000000x32xf32, #tpu.memory_space<hbm>> -> memref<1000000x32xf32, #tpu.memory_space<hbm>>
    tpu.enqueue_indirect_dma source(%dma_start3A_6 : memref<1000000x32xf32, #tpu.memory_space<hbm>>) target(%arg9 : memref<800x32xf32, #tpu.memory_space<vmem>>) offsets(%arg5 : memref<800xi32, #tpu.memory_space<vmem>>) semaphore(%arg13 : memref<!tpu.dma_semaphore, #tpu.memory_space<semaphore_mem>>)
    %add3A_7 = arith.constant 800 : i32
    %add3A_8 = arith.addi %mul3A_2, %add3A_7 : i32
    "tpu.region"() ({
      %run_scoped3A = tpu.sem_alloc : memref<!tpu.dma_semaphore, #tpu.memory_space<semaphore_mem>>
      %dma_start3A_86 = tpu.memref_slice %arg2[%add3A_8] : memref<3276800xi32, #tpu.memory_space<hbm>> -> memref<800xi32, #tpu.memory_space<hbm>>
      %dma_start3A_87 = tpu.memref_slice %arg2[%add3A_8] : memref<3276800xi32, #tpu.memory_space<hbm>> -> memref<800xi32, #tpu.memory_space<hbm>>
      tpu.enqueue_dma source(%dma_start3A_87 : memref<800xi32, #tpu.memory_space<hbm>>) target(%arg6 : memref<800xi32, #tpu.memory_space<vmem>>) target_semaphore(%run_scoped3A : memref<!tpu.dma_semaphore, #tpu.memory_space<semaphore_mem>>)
      %dma_wait3A_88 = tpu.memref_slice %arg2[%add3A_8] : memref<3276800xi32, #tpu.memory_space<hbm>> -> memref<800xi32, #tpu.memory_space<hbm>>
      %dma_wait3A_89 = tpu.memref_slice %arg2[%add3A_8] : memref<3276800xi32, #tpu.memory_space<hbm>> -> memref<800xi32, #tpu.memory_space<hbm>>
      tpu.wait_dma2 semaphore(%run_scoped3A : memref<!tpu.dma_semaphore, #tpu.memory_space<semaphore_mem>>) src(%dma_wait3A_89 : memref<800xi32, #tpu.memory_space<hbm>>) dst(%arg6 : memref<800xi32, #tpu.memory_space<vmem>>)
      tpu.yield
    }) : () -> ()
    %dma_start3A_9 = arith.constant 0 : i32
    %dma_start3A_10 = arith.constant 0 : i32
    %dma_start3A_11 = tpu.memref_slice %arg3[%dma_start3A_9, %dma_start3A_10] : memref<1000000x32xf32, #tpu.memory_space<hbm>> -> memref<1000000x32xf32, #tpu.memory_space<hbm>>
    tpu.enqueue_indirect_dma source(%dma_start3A_11 : memref<1000000x32xf32, #tpu.memory_space<hbm>>) target(%arg10 : memref<800x32xf32, #tpu.memory_space<vmem>>) offsets(%arg6 : memref<800xi32, #tpu.memory_space<vmem>>) semaphore(%arg14 : memref<!tpu.dma_semaphore, #tpu.memory_space<semaphore_mem>>)
    %add3A_12 = arith.constant 1600 : i32
    %add3A_13 = arith.addi %mul3A_2, %add3A_12 : i32
    "tpu.region"() ({
      %run_scoped3A = tpu.sem_alloc : memref<!tpu.dma_semaphore, #tpu.memory_space<semaphore_mem>>
      %dma_start3A_86 = tpu.memref_slice %arg2[%add3A_13] : memref<3276800xi32, #tpu.memory_space<hbm>> -> memref<800xi32, #tpu.memory_space<hbm>>
      %dma_start3A_87 = tpu.memref_slice %arg2[%add3A_13] : memref<3276800xi32, #tpu.memory_space<hbm>> -> memref<800xi32, #tpu.memory_space<hbm>>
      tpu.enqueue_dma source(%dma_start3A_87 : memref<800xi32, #tpu.memory_space<hbm>>) target(%arg7 : memref<800xi32, #tpu.memory_space<vmem>>) target_semaphore(%run_scoped3A : memref<!tpu.dma_semaphore, #tpu.memory_space<semaphore_mem>>)
      %dma_wait3A_88 = tpu.memref_slice %arg2[%add3A_13] : memref<3276800xi32, #tpu.memory_space<hbm>> -> memref<800xi32, #tpu.memory_space<hbm>>
      %dma_wait3A_89 = tpu.memref_slice %arg2[%add3A_13] : memref<3276800xi32, #tpu.memory_space<hbm>> -> memref<800xi32, #tpu.memory_space<hbm>>
      tpu.wait_dma2 semaphore(%run_scoped3A : memref<!tpu.dma_semaphore, #tpu.memory_space<semaphore_mem>>) src(%dma_wait3A_89 : memref<800xi32, #tpu.memory_space<hbm>>) dst(%arg7 : memref<800xi32, #tpu.memory_space<vmem>>)
      tpu.yield
    }) : () -> ()
    %dma_start3A_14 = arith.constant 0 : i32
    %dma_start3A_15 = arith.constant 0 : i32
    %dma_start3A_16 = tpu.memref_slice %arg3[%dma_start3A_14, %dma_start3A_15] : memref<1000000x32xf32, #tpu.memory_space<hbm>> -> memref<1000000x32xf32, #tpu.memory_space<hbm>>
    tpu.enqueue_indirect_dma source(%dma_start3A_16 : memref<1000000x32xf32, #tpu.memory_space<hbm>>) target(%arg11 : memref<800x32xf32, #tpu.memory_space<vmem>>) offsets(%arg7 : memref<800xi32, #tpu.memory_space<vmem>>) semaphore(%arg15 : memref<!tpu.dma_semaphore, #tpu.memory_space<semaphore_mem>>)
    %add3A_17 = arith.constant 2400 : i32
    %add3A_18 = arith.addi %mul3A_2, %add3A_17 : i32
    "tpu.region"() ({
      %run_scoped3A = tpu.sem_alloc : memref<!tpu.dma_semaphore, #tpu.memory_space<semaphore_mem>>
      %dma_start3A_86 = tpu.memref_slice %arg2[%add3A_18] : memref<3276800xi32, #tpu.memory_space<hbm>> -> memref<800xi32, #tpu.memory_space<hbm>>
      %dma_start3A_87 = tpu.memref_slice %arg2[%add3A_18] : memref<3276800xi32, #tpu.memory_space<hbm>> -> memref<800xi32, #tpu.memory_space<hbm>>
      tpu.enqueue_dma source(%dma_start3A_87 : memref<800xi32, #tpu.memory_space<hbm>>) target(%arg8 : memref<800xi32, #tpu.memory_space<vmem>>) target_semaphore(%run_scoped3A : memref<!tpu.dma_semaphore, #tpu.memory_space<semaphore_mem>>)
      %dma_wait3A_88 = tpu.memref_slice %arg2[%add3A_18] : memref<3276800xi32, #tpu.memory_space<hbm>> -> memref<800xi32, #tpu.memory_space<hbm>>
      %dma_wait3A_89 = tpu.memref_slice %arg2[%add3A_18] : memref<3276800xi32, #tpu.memory_space<hbm>> -> memref<800xi32, #tpu.memory_space<hbm>>
      tpu.wait_dma2 semaphore(%run_scoped3A : memref<!tpu.dma_semaphore, #tpu.memory_space<semaphore_mem>>) src(%dma_wait3A_89 : memref<800xi32, #tpu.memory_space<hbm>>) dst(%arg8 : memref<800xi32, #tpu.memory_space<vmem>>)
      tpu.yield
    }) : () -> ()
    %dma_start3A_19 = arith.constant 0 : i32
    %dma_start3A_20 = arith.constant 0 : i32
    %dma_start3A_21 = tpu.memref_slice %arg3[%dma_start3A_19, %dma_start3A_20] : memref<1000000x32xf32, #tpu.memory_space<hbm>> -> memref<1000000x32xf32, #tpu.memory_space<hbm>>
    tpu.enqueue_indirect_dma source(%dma_start3A_21 : memref<1000000x32xf32, #tpu.memory_space<hbm>>) target(%arg12 : memref<800x32xf32, #tpu.memory_space<vmem>>) offsets(%arg8 : memref<800xi32, #tpu.memory_space<vmem>>) semaphore(%arg16 : memref<!tpu.dma_semaphore, #tpu.memory_space<semaphore_mem>>)
    %scan3A = arith.constant 0 : i32
    %scan3A_22 = arith.constant 0 : i32
    %scan3A_23 = arith.constant 31 : i32
    %scan3A_24 = arith.addi %scan3A_22, %scan3A_23 : i32
    %scan3A_25 = arith.constant 1 : i32
    scf.for %scan3A_86 = %scan3A_22 to %scan3A_24 step %scan3A_25  : i32 {
      %mul3A_87 = arith.constant 4 : i32
      %mul3A_88 = arith.muli %scan3A_86, %mul3A_87 : i32
      %add3A_89 = arith.constant 0 : i32
      %add3A_90 = arith.addi %mul3A_88, %add3A_89 : i32
      %dma_wait3A_91 = arith.constant 0 : i32
      %dma_wait3A_92 = arith.constant 0 : i32
      %dma_wait3A_93 = tpu.memref_slice %arg3[%dma_wait3A_91, %dma_wait3A_92] : memref<1000000x32xf32, #tpu.memory_space<hbm>> -> memref<1000000x32xf32, #tpu.memory_space<hbm>>
      tpu.wait_indirect_dma semaphore(%arg13 : memref<!tpu.dma_semaphore, #tpu.memory_space<semaphore_mem>>) src(%dma_wait3A_93 : memref<1000000x32xf32, #tpu.memory_space<hbm>>) dst(%arg9 : memref<800x32xf32, #tpu.memory_space<vmem>>)
      %mul3A_94 = arith.constant 800 : i32
      %mul3A_95 = arith.muli %add3A_90, %mul3A_94 : i32
      %add3A_96 = arith.addi %mul3A_2, %mul3A_95 : i32
      %dma_start3A_97 = arith.constant 0 : i32
      %dma_start3A_98 = tpu.memref_slice %arg4[%add3A_96, %dma_start3A_97] : memref<3276800x32xf32, #tpu.memory_space<hbm>> -> memref<800x32xf32, #tpu.memory_space<hbm>>
      %dma_start3A_99 = arith.constant 0 : i32
      %dma_start3A_100 = tpu.memref_slice %arg4[%add3A_96, %dma_start3A_99] : memref<3276800x32xf32, #tpu.memory_space<hbm>> -> memref<800x32xf32, #tpu.memory_space<hbm>>
      tpu.enqueue_dma source(%arg9 : memref<800x32xf32, #tpu.memory_space<vmem>>) target(%dma_start3A_100 : memref<800x32xf32, #tpu.memory_space<hbm>>) target_semaphore(%arg17 : memref<!tpu.dma_semaphore, #tpu.memory_space<semaphore_mem>>)
      %add3A_101 = arith.constant 1 : i32
      %add3A_102 = arith.addi %mul3A_88, %add3A_101 : i32
      %dma_wait3A_103 = arith.constant 0 : i32
      %dma_wait3A_104 = arith.constant 0 : i32
      %dma_wait3A_105 = tpu.memref_slice %arg3[%dma_wait3A_103, %dma_wait3A_104] : memref<1000000x32xf32, #tpu.memory_space<hbm>> -> memref<1000000x32xf32, #tpu.memory_space<hbm>>
      tpu.wait_indirect_dma semaphore(%arg14 : memref<!tpu.dma_semaphore, #tpu.memory_space<semaphore_mem>>) src(%dma_wait3A_105 : memref<1000000x32xf32, #tpu.memory_space<hbm>>) dst(%arg10 : memref<800x32xf32, #tpu.memory_space<vmem>>)
      %mul3A_106 = arith.constant 800 : i32
      %mul3A_107 = arith.muli %add3A_102, %mul3A_106 : i32
      %add3A_108 = arith.addi %mul3A_2, %mul3A_107 : i32
      %dma_start3A_109 = arith.constant 0 : i32
      %dma_start3A_110 = tpu.memref_slice %arg4[%add3A_108, %dma_start3A_109] : memref<3276800x32xf32, #tpu.memory_space<hbm>> -> memref<800x32xf32, #tpu.memory_space<hbm>>
      %dma_start3A_111 = arith.constant 0 : i32
      %dma_start3A_112 = tpu.memref_slice %arg4[%add3A_108, %dma_start3A_111] : memref<3276800x32xf32, #tpu.memory_space<hbm>> -> memref<800x32xf32, #tpu.memory_space<hbm>>
      tpu.enqueue_dma source(%arg10 : memref<800x32xf32, #tpu.memory_space<vmem>>) target(%dma_start3A_112 : memref<800x32xf32, #tpu.memory_space<hbm>>) target_semaphore(%arg18 : memref<!tpu.dma_semaphore, #tpu.memory_space<semaphore_mem>>)
      %add3A_113 = arith.constant 2 : i32
      %add3A_114 = arith.addi %mul3A_88, %add3A_113 : i32
      %dma_wait3A_115 = arith.constant 0 : i32
      %dma_wait3A_116 = arith.constant 0 : i32
      %dma_wait3A_117 = tpu.memref_slice %arg3[%dma_wait3A_115, %dma_wait3A_116] : memref<1000000x32xf32, #tpu.memory_space<hbm>> -> memref<1000000x32xf32, #tpu.memory_space<hbm>>
      tpu.wait_indirect_dma semaphore(%arg15 : memref<!tpu.dma_semaphore, #tpu.memory_space<semaphore_mem>>) src(%dma_wait3A_117 : memref<1000000x32xf32, #tpu.memory_space<hbm>>) dst(%arg11 : memref<800x32xf32, #tpu.memory_space<vmem>>)
      %mul3A_118 = arith.constant 800 : i32
      %mul3A_119 = arith.muli %add3A_114, %mul3A_118 : i32
      %add3A_120 = arith.addi %mul3A_2, %mul3A_119 : i32
      %dma_start3A_121 = arith.constant 0 : i32
      %dma_start3A_122 = tpu.memref_slice %arg4[%add3A_120, %dma_start3A_121] : memref<3276800x32xf32, #tpu.memory_space<hbm>> -> memref<800x32xf32, #tpu.memory_space<hbm>>
      %dma_start3A_123 = arith.constant 0 : i32
      %dma_start3A_124 = tpu.memref_slice %arg4[%add3A_120, %dma_start3A_123] : memref<3276800x32xf32, #tpu.memory_space<hbm>> -> memref<800x32xf32, #tpu.memory_space<hbm>>
      tpu.enqueue_dma source(%arg11 : memref<800x32xf32, #tpu.memory_space<vmem>>) target(%dma_start3A_124 : memref<800x32xf32, #tpu.memory_space<hbm>>) target_semaphore(%arg19 : memref<!tpu.dma_semaphore, #tpu.memory_space<semaphore_mem>>)
      %add3A_125 = arith.constant 3 : i32
      %add3A_126 = arith.addi %mul3A_88, %add3A_125 : i32
      %dma_wait3A_127 = arith.constant 0 : i32
      %dma_wait3A_128 = arith.constant 0 : i32
      %dma_wait3A_129 = tpu.memref_slice %arg3[%dma_wait3A_127, %dma_wait3A_128] : memref<1000000x32xf32, #tpu.memory_space<hbm>> -> memref<1000000x32xf32, #tpu.memory_space<hbm>>
      tpu.wait_indirect_dma semaphore(%arg16 : memref<!tpu.dma_semaphore, #tpu.memory_space<semaphore_mem>>) src(%dma_wait3A_129 : memref<1000000x32xf32, #tpu.memory_space<hbm>>) dst(%arg12 : memref<800x32xf32, #tpu.memory_space<vmem>>)
      %mul3A_130 = arith.constant 800 : i32
      %mul3A_131 = arith.muli %add3A_126, %mul3A_130 : i32
      %add3A_132 = arith.addi %mul3A_2, %mul3A_131 : i32
      %dma_start3A_133 = arith.constant 0 : i32
      %dma_start3A_134 = tpu.memref_slice %arg4[%add3A_132, %dma_start3A_133] : memref<3276800x32xf32, #tpu.memory_space<hbm>> -> memref<800x32xf32, #tpu.memory_space<hbm>>
      %dma_start3A_135 = arith.constant 0 : i32
      %dma_start3A_136 = tpu.memref_slice %arg4[%add3A_132, %dma_start3A_135] : memref<3276800x32xf32, #tpu.memory_space<hbm>> -> memref<800x32xf32, #tpu.memory_space<hbm>>
      tpu.enqueue_dma source(%arg12 : memref<800x32xf32, #tpu.memory_space<vmem>>) target(%dma_start3A_136 : memref<800x32xf32, #tpu.memory_space<hbm>>) target_semaphore(%arg20 : memref<!tpu.dma_semaphore, #tpu.memory_space<semaphore_mem>>)
      %add3A_137 = arith.constant 4 : i32
      %add3A_138 = arith.addi %mul3A_88, %add3A_137 : i32
      %add3A_139 = arith.constant 0 : i32
      %add3A_140 = arith.addi %add3A_138, %add3A_139 : i32
      %sub3A = arith.constant 4 : i32
      %sub3A_141 = arith.subi %add3A_140, %sub3A : i32
      %mul3A_142 = arith.constant 800 : i32
      %mul3A_143 = arith.muli %sub3A_141, %mul3A_142 : i32
      %add3A_144 = arith.addi %mul3A_2, %mul3A_143 : i32
      %dma_wait3A_145 = arith.constant 0 : i32
      %dma_wait3A_146 = tpu.memref_slice %arg4[%add3A_144, %dma_wait3A_145] : memref<3276800x32xf32, #tpu.memory_space<hbm>> -> memref<800x32xf32, #tpu.memory_space<hbm>>
      %dma_wait3A_147 = arith.constant 0 : i32
      %dma_wait3A_148 = tpu.memref_slice %arg4[%add3A_144, %dma_wait3A_147] : memref<3276800x32xf32, #tpu.memory_space<hbm>> -> memref<800x32xf32, #tpu.memory_space<hbm>>
      tpu.wait_dma2 semaphore(%arg17 : memref<!tpu.dma_semaphore, #tpu.memory_space<semaphore_mem>>) src(%arg9 : memref<800x32xf32, #tpu.memory_space<vmem>>) dst(%dma_wait3A_148 : memref<800x32xf32, #tpu.memory_space<hbm>>)
      %mul3A_149 = arith.constant 800 : i32
      %mul3A_150 = arith.muli %add3A_140, %mul3A_149 : i32
      %add3A_151 = arith.addi %mul3A_2, %mul3A_150 : i32
      "tpu.region"() ({
        %run_scoped3A = tpu.sem_alloc : memref<!tpu.dma_semaphore, #tpu.memory_space<semaphore_mem>>
        %dma_start3A_212 = tpu.memref_slice %arg2[%add3A_151] : memref<3276800xi32, #tpu.memory_space<hbm>> -> memref<800xi32, #tpu.memory_space<hbm>>
        %dma_start3A_213 = tpu.memref_slice %arg2[%add3A_151] : memref<3276800xi32, #tpu.memory_space<hbm>> -> memref<800xi32, #tpu.memory_space<hbm>>
        tpu.enqueue_dma source(%dma_start3A_213 : memref<800xi32, #tpu.memory_space<hbm>>) target(%arg5 : memref<800xi32, #tpu.memory_space<vmem>>) target_semaphore(%run_scoped3A : memref<!tpu.dma_semaphore, #tpu.memory_space<semaphore_mem>>)
        %dma_wait3A_214 = tpu.memref_slice %arg2[%add3A_151] : memref<3276800xi32, #tpu.memory_space<hbm>> -> memref<800xi32, #tpu.memory_space<hbm>>
        %dma_wait3A_215 = tpu.memref_slice %arg2[%add3A_151] : memref<3276800xi32, #tpu.memory_space<hbm>> -> memref<800xi32, #tpu.memory_space<hbm>>
        tpu.wait_dma2 semaphore(%run_scoped3A : memref<!tpu.dma_semaphore, #tpu.memory_space<semaphore_mem>>) src(%dma_wait3A_215 : memref<800xi32, #tpu.memory_space<hbm>>) dst(%arg5 : memref<800xi32, #tpu.memory_space<vmem>>)
        tpu.yield
      }) : () -> ()
      %dma_start3A_152 = arith.constant 0 : i32
      %dma_start3A_153 = arith.constant 0 : i32
      %dma_start3A_154 = tpu.memref_slice %arg3[%dma_start3A_152, %dma_start3A_153] : memref<1000000x32xf32, #tpu.memory_space<hbm>> -> memref<1000000x32xf32, #tpu.memory_space<hbm>>
      tpu.enqueue_indirect_dma source(%dma_start3A_154 : memref<1000000x32xf32, #tpu.memory_space<hbm>>) target(%arg9 : memref<800x32xf32, #tpu.memory_space<vmem>>) offsets(%arg5 : memref<800xi32, #tpu.memory_space<vmem>>) semaphore(%arg13 : memref<!tpu.dma_semaphore, #tpu.memory_space<semaphore_mem>>)
      %add3A_155 = arith.constant 4 : i32
      %add3A_156 = arith.addi %mul3A_88, %add3A_155 : i32
      %add3A_157 = arith.constant 1 : i32
      %add3A_158 = arith.addi %add3A_156, %add3A_157 : i32
      %sub3A_159 = arith.constant 4 : i32
      %sub3A_160 = arith.subi %add3A_158, %sub3A_159 : i32
      %mul3A_161 = arith.constant 800 : i32
      %mul3A_162 = arith.muli %sub3A_160, %mul3A_161 : i32
      %add3A_163 = arith.addi %mul3A_2, %mul3A_162 : i32
      %dma_wait3A_164 = arith.constant 0 : i32
      %dma_wait3A_165 = tpu.memref_slice %arg4[%add3A_163, %dma_wait3A_164] : memref<3276800x32xf32, #tpu.memory_space<hbm>> -> memref<800x32xf32, #tpu.memory_space<hbm>>
      %dma_wait3A_166 = arith.constant 0 : i32
      %dma_wait3A_167 = tpu.memref_slice %arg4[%add3A_163, %dma_wait3A_166] : memref<3276800x32xf32, #tpu.memory_space<hbm>> -> memref<800x32xf32, #tpu.memory_space<hbm>>
      tpu.wait_dma2 semaphore(%arg18 : memref<!tpu.dma_semaphore, #tpu.memory_space<semaphore_mem>>) src(%arg10 : memref<800x32xf32, #tpu.memory_space<vmem>>) dst(%dma_wait3A_167 : memref<800x32xf32, #tpu.memory_space<hbm>>)
      %mul3A_168 = arith.constant 800 : i32
      %mul3A_169 = arith.muli %add3A_158, %mul3A_168 : i32
      %add3A_170 = arith.addi %mul3A_2, %mul3A_169 : i32
      "tpu.region"() ({
        %run_scoped3A = tpu.sem_alloc : memref<!tpu.dma_semaphore, #tpu.memory_space<semaphore_mem>>
        %dma_start3A_212 = tpu.memref_slice %arg2[%add3A_170] : memref<3276800xi32, #tpu.memory_space<hbm>> -> memref<800xi32, #tpu.memory_space<hbm>>
        %dma_start3A_213 = tpu.memref_slice %arg2[%add3A_170] : memref<3276800xi32, #tpu.memory_space<hbm>> -> memref<800xi32, #tpu.memory_space<hbm>>
        tpu.enqueue_dma source(%dma_start3A_213 : memref<800xi32, #tpu.memory_space<hbm>>) target(%arg6 : memref<800xi32, #tpu.memory_space<vmem>>) target_semaphore(%run_scoped3A : memref<!tpu.dma_semaphore, #tpu.memory_space<semaphore_mem>>)
        %dma_wait3A_214 = tpu.memref_slice %arg2[%add3A_170] : memref<3276800xi32, #tpu.memory_space<hbm>> -> memref<800xi32, #tpu.memory_space<hbm>>
        %dma_wait3A_215 = tpu.memref_slice %arg2[%add3A_170] : memref<3276800xi32, #tpu.memory_space<hbm>> -> memref<800xi32, #tpu.memory_space<hbm>>
        tpu.wait_dma2 semaphore(%run_scoped3A : memref<!tpu.dma_semaphore, #tpu.memory_space<semaphore_mem>>) src(%dma_wait3A_215 : memref<800xi32, #tpu.memory_space<hbm>>) dst(%arg6 : memref<800xi32, #tpu.memory_space<vmem>>)
        tpu.yield
      }) : () -> ()
      %dma_start3A_171 = arith.constant 0 : i32
      %dma_start3A_172 = arith.constant 0 : i32
      %dma_start3A_173 = tpu.memref_slice %arg3[%dma_start3A_171, %dma_start3A_172] : memref<1000000x32xf32, #tpu.memory_space<hbm>> -> memref<1000000x32xf32, #tpu.memory_space<hbm>>
      tpu.enqueue_indirect_dma source(%dma_start3A_173 : memref<1000000x32xf32, #tpu.memory_space<hbm>>) target(%arg10 : memref<800x32xf32, #tpu.memory_space<vmem>>) offsets(%arg6 : memref<800xi32, #tpu.memory_space<vmem>>) semaphore(%arg14 : memref<!tpu.dma_semaphore, #tpu.memory_space<semaphore_mem>>)
      %add3A_174 = arith.constant 4 : i32
      %add3A_175 = arith.addi %mul3A_88, %add3A_174 : i32
      %add3A_176 = arith.constant 2 : i32
      %add3A_177 = arith.addi %add3A_175, %add3A_176 : i32
      %sub3A_178 = arith.constant 4 : i32
      %sub3A_179 = arith.subi %add3A_177, %sub3A_178 : i32
      %mul3A_180 = arith.constant 800 : i32
      %mul3A_181 = arith.muli %sub3A_179, %mul3A_180 : i32
      %add3A_182 = arith.addi %mul3A_2, %mul3A_181 : i32
      %dma_wait3A_183 = arith.constant 0 : i32
      %dma_wait3A_184 = tpu.memref_slice %arg4[%add3A_182, %dma_wait3A_183] : memref<3276800x32xf32, #tpu.memory_space<hbm>> -> memref<800x32xf32, #tpu.memory_space<hbm>>
      %dma_wait3A_185 = arith.constant 0 : i32
      %dma_wait3A_186 = tpu.memref_slice %arg4[%add3A_182, %dma_wait3A_185] : memref<3276800x32xf32, #tpu.memory_space<hbm>> -> memref<800x32xf32, #tpu.memory_space<hbm>>
      tpu.wait_dma2 semaphore(%arg19 : memref<!tpu.dma_semaphore, #tpu.memory_space<semaphore_mem>>) src(%arg11 : memref<800x32xf32, #tpu.memory_space<vmem>>) dst(%dma_wait3A_186 : memref<800x32xf32, #tpu.memory_space<hbm>>)
      %mul3A_187 = arith.constant 800 : i32
      %mul3A_188 = arith.muli %add3A_177, %mul3A_187 : i32
      %add3A_189 = arith.addi %mul3A_2, %mul3A_188 : i32
      "tpu.region"() ({
        %run_scoped3A = tpu.sem_alloc : memref<!tpu.dma_semaphore, #tpu.memory_space<semaphore_mem>>
        %dma_start3A_212 = tpu.memref_slice %arg2[%add3A_189] : memref<3276800xi32, #tpu.memory_space<hbm>> -> memref<800xi32, #tpu.memory_space<hbm>>
        %dma_start3A_213 = tpu.memref_slice %arg2[%add3A_189] : memref<3276800xi32, #tpu.memory_space<hbm>> -> memref<800xi32, #tpu.memory_space<hbm>>
        tpu.enqueue_dma source(%dma_start3A_213 : memref<800xi32, #tpu.memory_space<hbm>>) target(%arg7 : memref<800xi32, #tpu.memory_space<vmem>>) target_semaphore(%run_scoped3A : memref<!tpu.dma_semaphore, #tpu.memory_space<semaphore_mem>>)
        %dma_wait3A_214 = tpu.memref_slice %arg2[%add3A_189] : memref<3276800xi32, #tpu.memory_space<hbm>> -> memref<800xi32, #tpu.memory_space<hbm>>
        %dma_wait3A_215 = tpu.memref_slice %arg2[%add3A_189] : memref<3276800xi32, #tpu.memory_space<hbm>> -> memref<800xi32, #tpu.memory_space<hbm>>
        tpu.wait_dma2 semaphore(%run_scoped3A : memref<!tpu.dma_semaphore, #tpu.memory_space<semaphore_mem>>) src(%dma_wait3A_215 : memref<800xi32, #tpu.memory_space<hbm>>) dst(%arg7 : memref<800xi32, #tpu.memory_space<vmem>>)
        tpu.yield
      }) : () -> ()
      %dma_start3A_190 = arith.constant 0 : i32
      %dma_start3A_191 = arith.constant 0 : i32
      %dma_start3A_192 = tpu.memref_slice %arg3[%dma_start3A_190, %dma_start3A_191] : memref<1000000x32xf32, #tpu.memory_space<hbm>> -> memref<1000000x32xf32, #tpu.memory_space<hbm>>
      tpu.enqueue_indirect_dma source(%dma_start3A_192 : memref<1000000x32xf32, #tpu.memory_space<hbm>>) target(%arg11 : memref<800x32xf32, #tpu.memory_space<vmem>>) offsets(%arg7 : memref<800xi32, #tpu.memory_space<vmem>>) semaphore(%arg15 : memref<!tpu.dma_semaphore, #tpu.memory_space<semaphore_mem>>)
      %add3A_193 = arith.constant 4 : i32
      %add3A_194 = arith.addi %mul3A_88, %add3A_193 : i32
      %add3A_195 = arith.constant 3 : i32
      %add3A_196 = arith.addi %add3A_194, %add3A_195 : i32
      %sub3A_197 = arith.constant 4 : i32
      %sub3A_198 = arith.subi %add3A_196, %sub3A_197 : i32
      %mul3A_199 = arith.constant 800 : i32
      %mul3A_200 = arith.muli %sub3A_198, %mul3A_199 : i32
      %add3A_201 = arith.addi %mul3A_2, %mul3A_200 : i32
      %dma_wait3A_202 = arith.constant 0 : i32
      %dma_wait3A_203 = tpu.memref_slice %arg4[%add3A_201, %dma_wait3A_202] : memref<3276800x32xf32, #tpu.memory_space<hbm>> -> memref<800x32xf32, #tpu.memory_space<hbm>>
      %dma_wait3A_204 = arith.constant 0 : i32
      %dma_wait3A_205 = tpu.memref_slice %arg4[%add3A_201, %dma_wait3A_204] : memref<3276800x32xf32, #tpu.memory_space<hbm>> -> memref<800x32xf32, #tpu.memory_space<hbm>>
      tpu.wait_dma2 semaphore(%arg20 : memref<!tpu.dma_semaphore, #tpu.memory_space<semaphore_mem>>) src(%arg12 : memref<800x32xf32, #tpu.memory_space<vmem>>) dst(%dma_wait3A_205 : memref<800x32xf32, #tpu.memory_space<hbm>>)
      %mul3A_206 = arith.constant 800 : i32
      %mul3A_207 = arith.muli %add3A_196, %mul3A_206 : i32
      %add3A_208 = arith.addi %mul3A_2, %mul3A_207 : i32
      "tpu.region"() ({
        %run_scoped3A = tpu.sem_alloc : memref<!tpu.dma_semaphore, #tpu.memory_space<semaphore_mem>>
        %dma_start3A_212 = tpu.memref_slice %arg2[%add3A_208] : memref<3276800xi32, #tpu.memory_space<hbm>> -> memref<800xi32, #tpu.memory_space<hbm>>
        %dma_start3A_213 = tpu.memref_slice %arg2[%add3A_208] : memref<3276800xi32, #tpu.memory_space<hbm>> -> memref<800xi32, #tpu.memory_space<hbm>>
        tpu.enqueue_dma source(%dma_start3A_213 : memref<800xi32, #tpu.memory_space<hbm>>) target(%arg8 : memref<800xi32, #tpu.memory_space<vmem>>) target_semaphore(%run_scoped3A : memref<!tpu.dma_semaphore, #tpu.memory_space<semaphore_mem>>)
        %dma_wait3A_214 = tpu.memref_slice %arg2[%add3A_208] : memref<3276800xi32, #tpu.memory_space<hbm>> -> memref<800xi32, #tpu.memory_space<hbm>>
        %dma_wait3A_215 = tpu.memref_slice %arg2[%add3A_208] : memref<3276800xi32, #tpu.memory_space<hbm>> -> memref<800xi32, #tpu.memory_space<hbm>>
        tpu.wait_dma2 semaphore(%run_scoped3A : memref<!tpu.dma_semaphore, #tpu.memory_space<semaphore_mem>>) src(%dma_wait3A_215 : memref<800xi32, #tpu.memory_space<hbm>>) dst(%arg8 : memref<800xi32, #tpu.memory_space<vmem>>)
        tpu.yield
      }) : () -> ()
      %dma_start3A_209 = arith.constant 0 : i32
      %dma_start3A_210 = arith.constant 0 : i32
      %dma_start3A_211 = tpu.memref_slice %arg3[%dma_start3A_209, %dma_start3A_210] : memref<1000000x32xf32, #tpu.memory_space<hbm>> -> memref<1000000x32xf32, #tpu.memory_space<hbm>>
      tpu.enqueue_indirect_dma source(%dma_start3A_211 : memref<1000000x32xf32, #tpu.memory_space<hbm>>) target(%arg12 : memref<800x32xf32, #tpu.memory_space<vmem>>) offsets(%arg8 : memref<800xi32, #tpu.memory_space<vmem>>) semaphore(%arg16 : memref<!tpu.dma_semaphore, #tpu.memory_space<semaphore_mem>>)
    }
    %scan3A_26 = arith.constant 31 : i32
    %dma_wait3A = arith.constant 0 : i32
    %dma_wait3A_27 = arith.constant 0 : i32
    %dma_wait3A_28 = tpu.memref_slice %arg3[%dma_wait3A, %dma_wait3A_27] : memref<1000000x32xf32, #tpu.memory_space<hbm>> -> memref<1000000x32xf32, #tpu.memory_space<hbm>>
    tpu.wait_indirect_dma semaphore(%arg13 : memref<!tpu.dma_semaphore, #tpu.memory_space<semaphore_mem>>) src(%dma_wait3A_28 : memref<1000000x32xf32, #tpu.memory_space<hbm>>) dst(%arg9 : memref<800x32xf32, #tpu.memory_space<vmem>>)
    %add3A_29 = arith.constant 99200 : i32
    %add3A_30 = arith.addi %mul3A_2, %add3A_29 : i32
    %dma_start3A_31 = arith.constant 0 : i32
    %dma_start3A_32 = tpu.memref_slice %arg4[%add3A_30, %dma_start3A_31] : memref<3276800x32xf32, #tpu.memory_space<hbm>> -> memref<800x32xf32, #tpu.memory_space<hbm>>
    %dma_start3A_33 = arith.constant 0 : i32
    %dma_start3A_34 = tpu.memref_slice %arg4[%add3A_30, %dma_start3A_33] : memref<3276800x32xf32, #tpu.memory_space<hbm>> -> memref<800x32xf32, #tpu.memory_space<hbm>>
    tpu.enqueue_dma source(%arg9 : memref<800x32xf32, #tpu.memory_space<vmem>>) target(%dma_start3A_34 : memref<800x32xf32, #tpu.memory_space<hbm>>) target_semaphore(%arg17 : memref<!tpu.dma_semaphore, #tpu.memory_space<semaphore_mem>>)
    %dma_wait3A_35 = arith.constant 0 : i32
    %dma_wait3A_36 = arith.constant 0 : i32
    %dma_wait3A_37 = tpu.memref_slice %arg3[%dma_wait3A_35, %dma_wait3A_36] : memref<1000000x32xf32, #tpu.memory_space<hbm>> -> memref<1000000x32xf32, #tpu.memory_space<hbm>>
    tpu.wait_indirect_dma semaphore(%arg14 : memref<!tpu.dma_semaphore, #tpu.memory_space<semaphore_mem>>) src(%dma_wait3A_37 : memref<1000000x32xf32, #tpu.memory_space<hbm>>) dst(%arg10 : memref<800x32xf32, #tpu.memory_space<vmem>>)
    %add3A_38 = arith.constant 100000 : i32
    %add3A_39 = arith.addi %mul3A_2, %add3A_38 : i32
    %dma_start3A_40 = arith.constant 0 : i32
    %dma_start3A_41 = tpu.memref_slice %arg4[%add3A_39, %dma_start3A_40] : memref<3276800x32xf32, #tpu.memory_space<hbm>> -> memref<800x32xf32, #tpu.memory_space<hbm>>
    %dma_start3A_42 = arith.constant 0 : i32
    %dma_start3A_43 = tpu.memref_slice %arg4[%add3A_39, %dma_start3A_42] : memref<3276800x32xf32, #tpu.memory_space<hbm>> -> memref<800x32xf32, #tpu.memory_space<hbm>>
    tpu.enqueue_dma source(%arg10 : memref<800x32xf32, #tpu.memory_space<vmem>>) target(%dma_start3A_43 : memref<800x32xf32, #tpu.memory_space<hbm>>) target_semaphore(%arg18 : memref<!tpu.dma_semaphore, #tpu.memory_space<semaphore_mem>>)
    %dma_wait3A_44 = arith.constant 0 : i32
    %dma_wait3A_45 = arith.constant 0 : i32
    %dma_wait3A_46 = tpu.memref_slice %arg3[%dma_wait3A_44, %dma_wait3A_45] : memref<1000000x32xf32, #tpu.memory_space<hbm>> -> memref<1000000x32xf32, #tpu.memory_space<hbm>>
    tpu.wait_indirect_dma semaphore(%arg15 : memref<!tpu.dma_semaphore, #tpu.memory_space<semaphore_mem>>) src(%dma_wait3A_46 : memref<1000000x32xf32, #tpu.memory_space<hbm>>) dst(%arg11 : memref<800x32xf32, #tpu.memory_space<vmem>>)
    %add3A_47 = arith.constant 100800 : i32
    %add3A_48 = arith.addi %mul3A_2, %add3A_47 : i32
    %dma_start3A_49 = arith.constant 0 : i32
    %dma_start3A_50 = tpu.memref_slice %arg4[%add3A_48, %dma_start3A_49] : memref<3276800x32xf32, #tpu.memory_space<hbm>> -> memref<800x32xf32, #tpu.memory_space<hbm>>
    %dma_start3A_51 = arith.constant 0 : i32
    %dma_start3A_52 = tpu.memref_slice %arg4[%add3A_48, %dma_start3A_51] : memref<3276800x32xf32, #tpu.memory_space<hbm>> -> memref<800x32xf32, #tpu.memory_space<hbm>>
    tpu.enqueue_dma source(%arg11 : memref<800x32xf32, #tpu.memory_space<vmem>>) target(%dma_start3A_52 : memref<800x32xf32, #tpu.memory_space<hbm>>) target_semaphore(%arg19 : memref<!tpu.dma_semaphore, #tpu.memory_space<semaphore_mem>>)
    %dma_wait3A_53 = arith.constant 0 : i32
    %dma_wait3A_54 = arith.constant 0 : i32
    %dma_wait3A_55 = tpu.memref_slice %arg3[%dma_wait3A_53, %dma_wait3A_54] : memref<1000000x32xf32, #tpu.memory_space<hbm>> -> memref<1000000x32xf32, #tpu.memory_space<hbm>>
    tpu.wait_indirect_dma semaphore(%arg16 : memref<!tpu.dma_semaphore, #tpu.memory_space<semaphore_mem>>) src(%dma_wait3A_55 : memref<1000000x32xf32, #tpu.memory_space<hbm>>) dst(%arg12 : memref<800x32xf32, #tpu.memory_space<vmem>>)
    %add3A_56 = arith.constant 101600 : i32
    %add3A_57 = arith.addi %mul3A_2, %add3A_56 : i32
    %dma_start3A_58 = arith.constant 0 : i32
    %dma_start3A_59 = tpu.memref_slice %arg4[%add3A_57, %dma_start3A_58] : memref<3276800x32xf32, #tpu.memory_space<hbm>> -> memref<800x32xf32, #tpu.memory_space<hbm>>
    %dma_start3A_60 = arith.constant 0 : i32
    %dma_start3A_61 = tpu.memref_slice %arg4[%add3A_57, %dma_start3A_60] : memref<3276800x32xf32, #tpu.memory_space<hbm>> -> memref<800x32xf32, #tpu.memory_space<hbm>>
    tpu.enqueue_dma source(%arg12 : memref<800x32xf32, #tpu.memory_space<vmem>>) target(%dma_start3A_61 : memref<800x32xf32, #tpu.memory_space<hbm>>) target_semaphore(%arg20 : memref<!tpu.dma_semaphore, #tpu.memory_space<semaphore_mem>>)
    %add3A_62 = arith.constant 99200 : i32
    %add3A_63 = arith.addi %mul3A_2, %add3A_62 : i32
    %dma_wait3A_64 = arith.constant 0 : i32
    %dma_wait3A_65 = tpu.memref_slice %arg4[%add3A_63, %dma_wait3A_64] : memref<3276800x32xf32, #tpu.memory_space<hbm>> -> memref<800x32xf32, #tpu.memory_space<hbm>>
    %dma_wait3A_66 = arith.constant 0 : i32
    %dma_wait3A_67 = tpu.memref_slice %arg4[%add3A_63, %dma_wait3A_66] : memref<3276800x32xf32, #tpu.memory_space<hbm>> -> memref<800x32xf32, #tpu.memory_space<hbm>>
    tpu.wait_dma2 semaphore(%arg17 : memref<!tpu.dma_semaphore, #tpu.memory_space<semaphore_mem>>) src(%arg9 : memref<800x32xf32, #tpu.memory_space<vmem>>) dst(%dma_wait3A_67 : memref<800x32xf32, #tpu.memory_space<hbm>>)
    %add3A_68 = arith.constant 100000 : i32
    %add3A_69 = arith.addi %mul3A_2, %add3A_68 : i32
    %dma_wait3A_70 = arith.constant 0 : i32
    %dma_wait3A_71 = tpu.memref_slice %arg4[%add3A_69, %dma_wait3A_70] : memref<3276800x32xf32, #tpu.memory_space<hbm>> -> memref<800x32xf32, #tpu.memory_space<hbm>>
    %dma_wait3A_72 = arith.constant 0 : i32
    %dma_wait3A_73 = tpu.memref_slice %arg4[%add3A_69, %dma_wait3A_72] : memref<3276800x32xf32, #tpu.memory_space<hbm>> -> memref<800x32xf32, #tpu.memory_space<hbm>>
    tpu.wait_dma2 semaphore(%arg18 : memref<!tpu.dma_semaphore, #tpu.memory_space<semaphore_mem>>) src(%arg10 : memref<800x32xf32, #tpu.memory_space<vmem>>) dst(%dma_wait3A_73 : memref<800x32xf32, #tpu.memory_space<hbm>>)
    %add3A_74 = arith.constant 100800 : i32
    %add3A_75 = arith.addi %mul3A_2, %add3A_74 : i32
    %dma_wait3A_76 = arith.constant 0 : i32
    %dma_wait3A_77 = tpu.memref_slice %arg4[%add3A_75, %dma_wait3A_76] : memref<3276800x32xf32, #tpu.memory_space<hbm>> -> memref<800x32xf32, #tpu.memory_space<hbm>>
    %dma_wait3A_78 = arith.constant 0 : i32
    %dma_wait3A_79 = tpu.memref_slice %arg4[%add3A_75, %dma_wait3A_78] : memref<3276800x32xf32, #tpu.memory_space<hbm>> -> memref<800x32xf32, #tpu.memory_space<hbm>>
    tpu.wait_dma2 semaphore(%arg19 : memref<!tpu.dma_semaphore, #tpu.memory_space<semaphore_mem>>) src(%arg11 : memref<800x32xf32, #tpu.memory_space<vmem>>) dst(%dma_wait3A_79 : memref<800x32xf32, #tpu.memory_space<hbm>>)
    %add3A_80 = arith.constant 101600 : i32
    %add3A_81 = arith.addi %mul3A_2, %add3A_80 : i32
    %dma_wait3A_82 = arith.constant 0 : i32
    %dma_wait3A_83 = tpu.memref_slice %arg4[%add3A_81, %dma_wait3A_82] : memref<3276800x32xf32, #tpu.memory_space<hbm>> -> memref<800x32xf32, #tpu.memory_space<hbm>>
    %dma_wait3A_84 = arith.constant 0 : i32
    %dma_wait3A_85 = tpu.memref_slice %arg4[%add3A_81, %dma_wait3A_84] : memref<3276800x32xf32, #tpu.memory_space<hbm>> -> memref<800x32xf32, #tpu.memory_space<hbm>>
    tpu.wait_dma2 semaphore(%arg20 : memref<!tpu.dma_semaphore, #tpu.memory_space<semaphore_mem>>) src(%arg12 : memref<800x32xf32, #tpu.memory_space<vmem>>) dst(%dma_wait3A_85 : memref<800x32xf32, #tpu.memory_space<hbm>>)
    return
  }
}

module attributes {stable_mosaic.version = 14 : i64} {
  func.func @tkern(%arg0: i32, %arg1: memref<6400x128xf32, #tpu.memory_space<vmem>>, %arg2: memref<6400x128xf32, #tpu.memory_space<vmem>>) attributes {dimension_semantics = [#tpu.dimension_semantics<arbitrary>], iteration_bounds = array<i64: 128>, scalar_prefetch = 0 : i64, scratch_operands = 0 : i64, tpu.core_type = #tpu.core_type<tc>, window_params = [{transform_indices = @transform_0, window_bounds = array<i64: 6400, 128>}, {transform_indices = @transform_1, window_bounds = array<i64: 6400, 128>}]} {
    %get3A = arith.constant 0 : index
    %get3A_0 = arith.constant 0 : index
    %get3A_1 = vector.load %arg1[%get3A, %get3A_0] : memref<6400x128xf32, #tpu.memory_space<vmem>>, vector<6400x128xf32>
    %reshape3A = vector.shape_cast %get3A_1 : vector<6400x128xf32> to vector<128x50x128xf32>
    %transpose3A = tpu.transpose %reshape3A, [1, 2, 0] : vector<128x50x128xf32> -> vector<50x128x128xf32>
    %reshape3A_2 = vector.shape_cast %transpose3A : vector<50x128x128xf32> to vector<6400x128xf32>
    %swap3A = arith.constant 0 : index
    %swap3A_3 = arith.constant 0 : index
    %swap3A_4 = vector.load %arg2[%swap3A, %swap3A_3] : memref<6400x128xf32, #tpu.memory_space<vmem>>, vector<6400x128xf32>
    tpu.vector_store %arg2[%swap3A, %swap3A_3], %reshape3A_2 {strides = array<i32>} : memref<6400x128xf32, #tpu.memory_space<vmem>>, vector<6400x128xf32>,
    return
  }
  func.func @transform_0(%arg0: i32) -> (i32, i32) {
    %c0_i32 = arith.constant 0 : i32
    %c0_i32_0 = arith.constant 0 : i32
    return %arg0, %c0_i32 : i32, i32
  }
  func.func @transform_1(%arg0: i32) -> (i32, i32) {
    %c0_i32 = arith.constant 0 : i32
    %c0_i32_0 = arith.constant 0 : i32
    return %c0_i32, %arg0 : i32, i32
  }
}

</mosaic_0001>

<sc_bundles>
// kernel: kernel.4.cloned.1.call-start
scs
__scs_entry_jumppad:
0x0: {  	(pc) =	sbr.rel $0x88, $3  }
0x1: {  	(tag) =	ssettag $0x0;
	lr =	simm.s32 $0x1  }
0x2: {  	[smem:$0x3F9F] =	sst lr;
	_ =	strace $0xD0000000  }
0x3: {  	_ = 	snop  }
0x4: {  	_ = 	snop  }
0x5: {  	_ = 	snop  }
0x6: {  	_ = 	snop  }
0x7: {  	_ = 	snop  }
__scs_overlays_trampoline_lowered:
0x8: {  	[smem:$0x3FAE] =	sst s0  }
0x9: {  	[smem:$0x3FAF] =	sst s1  }
0xa: {  	[smem:$0x3FB0] =	sst s2  }
0xb: {  	[smem:$0x3FB1] =	sst s3  }
0xc: {  	[smem:$0x3FB2] =	sst s4  }
0xd: {  	[smem:$0x3FB3] =	sst s5  }
0xe: {  	[smem:$0x3FB4] =	sst s6  }
0xf: {  	[smem:$0x3FB5] =	sst s7  }
0x10: {  	[smem:$0x3FB6] =	sst s8  }
0x11: {  	[smem:$0x3FB7] =	sst s9;
	s0 =	simm.s32 @!p0 $0x0  }
0x12: {  	s1 =	sld [smem:$0x3F9D];
	s0 =	simm.s32 @p0 $0x1  }
0x13: {  	[smem:$0x3FB8] =	sst s0;
	s0 =	simm.s32 @!p1 $0x0  }
0x14: {  	s2 =	sld [smem:$0x3F9C];
	s0 =	simm.s32 @p1 $0x1  }
0x15: {  	[smem:$0x3FB9] =	sst s0;
	s0 =	simm.s32 @!p2 $0x0  }
0x16: {  	s3 =	sld [smem:$0x3FDB];
	s0 =	simm.s32 @p2 $0x1  }
0x17: {  	s4 =	simm.s32 $0x1BF5;
	[smem:$0x3FBB] =	sst s0  }
0x18: {  	s0 =	sld [smem:$0x3F9E];
	_ =	swait.ge [sflag:s4], $0x0  }
0x19: {  	s7 =	sld [smem:$0x3F9F]  }
0x1a: {  	s8 =	sadd.s32 $0xFFFFE003, lr  }
0x1b: {  	s9 =	sadd.s32 $0xFFFFFEF7, lr;
	s5 =	simm.s32 $0xFFFFFFFF;
	p2 =	slt.u32 s8, $0xFFFFF086  }
0x1c: {  	p1 =	slt.u32 s9, $0xF7A;
	s5 =	simm.s32 @!p2 $0x0  }
0x1d: {  	s5 =	simm.s32 @p1 $0x1;
	p0 =	seq.s32 s7, s2  }
0x1e: {  	s7 =	smul.u32 @!p0 $0xF7A, s2;
	p2 =	seq.s32 @!p0 s5, $0x0  }
0x1f: {  	s9 =	smul.u32 $0xF7A, s1;
	s8 =	simm.s32 @!p0 $0x1BF5;
	p2 =	por !p2, p0  }
0x20: {  	[sflag:s8] =	ssyncset.s32 @!p0 $0xFFFFF086;
	s6 =	sadd.s32 @!p0 s3, s7;
	s7 =	simm.s32 @!p0 $0x108  }
0x21: {  	s3 =	sadd.s32 s3, s9;
	s6 =	sadd.s32 @!p0 $0x88, s6;
	s7 =	simm.s32 @p2 $0x1082  }
0x22: {  	[simem:s7], [sflag:s8] =	dma.local @!p0 [hbm:s6], $0xF7A  }
0x23: {  	s9 =	sor.u32 $0xD0000000, s2;
	s6 =	simm.s32 $0x108;
	_ =	swait.ge @!p0 [sflag:s8], $0x0  }
0x24: {  	s3 =	sadd.s32 $0x88, s3;
	s6 =	simm.s32 @!p1 $0x1082;
	[sflag:s4] =	ssyncset.s32 $0xFFFFF086  }
0x25: {  	[simem:s6], [sflag:s4] =	dma.local [hbm:s3], $0xF7A  }
0x26: {  	[smem:$0x3F9F] =	sst s1;
	(tag) =	ssettag s2;
	_ =	strace s9  }
0x27: {  	s1 =	sld [smem:$0x3FAF]  }
0x28: {  	s2 =	sld [smem:$0x3FB0]  }
0x29: {  	s4 =	sld [smem:$0x3FB2]  }
0x2a: {  	p0 =	seq.s32 s5, $0x0;
	s5 =	sld [smem:$0x3FB3]  }
0x2b: {  	s6 =	sld [smem:$0x3FB4]  }
0x2c: {  	s7 =	sld [smem:$0x3FB5]  }
0x2d: {  	s3 =	simm.s32 $0x108;
	s8 =	sld [smem:$0x3FB6]  }
0x2e: {  	s3 =	simm.s32 @!p0 $0x1082;
	s9 =	sld [smem:$0x3FB7]  }
0x2f: {  	lr =	sadd.s32 s0, s3;
	s0 =	sld [smem:$0x3FAE]  }
0x30: {  	s3 =	sld [smem:$0x3FB1]  }
0x31: {  	[smem:$0x3FBA] =	sst s10  }
0x32: {  	s10 =	sld [smem:$0x3FB8];
	_ =	sdelay $0x3  }
0x33: {  	p0 =	seq.s32 s10, $0x1;
	s10 =	sld [smem:$0x3FBA];
	_ =	sdelay $0x3  }
0x34: {  	[smem:$0x3FBA] =	sst s10  }
0x35: {  	s10 =	sld [smem:$0x3FB9];
	_ =	sdelay $0x3  }
0x36: {  	p1 =	seq.s32 s10, $0x1;
	s10 =	sld [smem:$0x3FBA];
	_ =	sdelay $0x3  }
0x37: {  	[smem:$0x3FBA] =	sst s10  }
0x38: {  	s10 =	sld [smem:$0x3FBB]  }
0x39: {  	_ = 	snop;
	(pc) =	sbr.ind lr, $3  }
0x3a: {  	_ = 	snop  }
0x3b: {  	_ = 	snop  }
0x3c: {  	p2 =	seq.s32 s10, $0x1;
	s10 =	sld [smem:$0x3FBA]  }
0x3d: {  	_ =	shalt  }
0x3e: {  	_ =	shalt  }
0x3f: {  	_ =	shalt  }
0x40: {  	_ =	shalt  }
0x41: {  	_ =	shalt  }
0x42: {  	_ =	shalt  }
0x43: {  	_ =	shalt  }
0x44: {  	_ =	shalt  }
0x45: {  	_ =	shalt  }
0x46: {  	_ =	shalt  }
0x47: {  	_ =	shalt  }
0x48: {  	_ =	shalt  }
0x49: {  	_ =	shalt  }
0x4a: {  	_ =	shalt  }
0x4b: {  	_ =	shalt  }
0x4c: {  	_ =	shalt  }
0x4d: {  	_ =	shalt  }
0x4e: {  	_ =	shalt  }
0x4f: {  	_ =	shalt  }
0x50: {  	_ =	shalt  }
0x51: {  	_ =	shalt  }
0x52: {  	_ =	shalt  }
0x53: {  	_ =	shalt  }
0x54: {  	_ =	shalt  }
0x55: {  	_ =	shalt  }
0x56: {  	_ =	shalt  }
0x57: {  	_ =	shalt  }
0x58: {  	_ =	shalt  }
0x59: {  	_ =	shalt  }
0x5a: {  	_ =	shalt  }
0x5b: {  	_ =	shalt  }
0x5c: {  	_ =	shalt  }
0x5d: {  	_ =	shalt  }
0x5e: {  	_ =	shalt  }
0x5f: {  	_ =	shalt  }
0x60: {  	_ =	shalt  }
0x61: {  	_ =	shalt  }
0x62: {  	_ =	shalt  }
0x63: {  	_ =	shalt  }
0x64: {  	_ =	shalt  }
0x65: {  	_ =	shalt  }
0x66: {  	_ =	shalt  }
0x67: {  	_ =	shalt  }
0x68: {  	_ =	shalt  }
0x69: {  	_ =	shalt  }
0x6a: {  	_ =	shalt  }
0x6b: {  	_ =	shalt  }
0x6c: {  	_ =	shalt  }
0x6d: {  	_ =	shalt  }
0x6e: {  	_ =	shalt  }
0x6f: {  	_ =	shalt  }
0x70: {  	_ =	shalt  }
0x71: {  	_ =	shalt  }
0x72: {  	_ =	shalt  }
0x73: {  	_ =	shalt  }
0x74: {  	_ =	shalt  }
0x75: {  	_ =	shalt  }
0x76: {  	_ =	shalt  }
0x77: {  	_ =	shalt  }
0x78: {  	_ =	shalt  }
0x79: {  	_ =	shalt  }
0x7a: {  	_ =	shalt  }
0x7b: {  	_ =	shalt  }
0x7c: {  	_ =	shalt  }
0x7d: {  	_ =	shalt  }
0x7e: {  	_ =	shalt  }
0x7f: {  	_ =	shalt  }
0x80: {  	_ =	shalt  }
0x81: {  	_ =	shalt  }
0x82: {  	_ =	shalt  }
0x83: {  	_ =	shalt  }
0x84: {  	_ =	shalt  }
0x85: {  	_ =	shalt  }
0x86: {  	_ =	shalt  }
0x87: {  	_ =	shalt  }
.Lfunc_end0:
.L_simem_size_0:
called_computation_lowered:
.L_overlay_start_0:
0x88: {  	s2 =	sld [smem:$0x3FD9]  }
0x89: {  	s3 =	sld [smem:$0x3FFE];
	_ =	sdelay $0x1  }
0x8a: {  	s1 =	srdreg.scid  }
0x8b: {  	s0 =	sand.u32 $0x1, s1  }
0x8c: {  	s17 =	sshll.u32 s0, $0xA;
	s2 =	sadd.s32 s3, s2  }
0x8d: {  	s2 =	sadd.s32 s2, s17  }
0x8e: {  	[smem:$0x3FC6] =	sst s2  }
0x8f: {  	_ = 	snop  }
0x90: {  	s2 =	sld [smem:$0x3FD0];
	(tm) =	ssettm $0x1  }
0x91: {  	s18 =	sld [smem:$0x3FFB];
	_ =	sdelay $0x3  }
0x92: {  	_ =	strace s18  }
0x93: {  	s3 =	sld [smem:$0x3FFC];
	_ =	sdelay $0x3  }
0x94: {  	_ =	strace s3  }
0x95: {  	s3 =	sld [smem:$0x3FFD];
	_ =	sdelay $0x3  }
0x96: {  	_ =	strace s3  }
0x97: {  	_ =	strace $0x8FFFFFFF  }
0x98: {  	s19 =	sld [smem:$0x3FDB];
	_ =	sdelay $0x1  }
0x99: {  	s4 =	simm.s32 $_scs_section_size  }
0x9a: {  	s5 =	simm.s32 $_size__tile_overlayer_lowered;
	s6 =	simm.s32 $_tile_overlayer_lowered  }
0x9b: {  	s22 =	simm.s32 $0x1BFF;
	s21 =	sshll.u32 s6, $0x1;
	s3 =	sadd.s32 s4, s19  }
0x9c: {  	s7 =	simm.s32 $0x0;
	s20 =	sshll.u32 s5, $0x1;
	s5 =	sadd.s32 s21, s3  }
0x9d: {  	[timem:s7], [sflag:s22] =	dma.local [hbm:s5], s20  }
0x9e: {  	_ =	swait.ge [sflag:s22], s20  }
0x9f: {  	s4 =	ssub.s32 $0x0, s20;
	[sflag:s22] =	ssyncset.done $0x0  }
0xa0: {  	[sflag:s22] =	ssyncadd.s32 s4;
	_ =	sdelay $0x1  }
0xa1: {  	s23 =	simm.s32 $0x1B8B  }
0xa2: {  	_ =	swait.ge [sflag:s23], $0x1  }
0xa3: {  	[sflag:s23] =	ssyncset.done $0x0  }
0xa4: {  	s25 =	simm.s32 $0x1B8E;
	s24 =	sld [smem:$0x3FFE];
	[sflag:s23] =	ssyncadd.s32 $0xFFFFFFFF  }
0xa5: {  	s26 =	simm.s32 $execute0_lowered;
	[smem:$0x3FD2] =	sst s25  }
0xa6: {  	s5 =	sshll.u32 s26, $0x1;
	_ =	strace $0x80000046;
	[dreg:$0x1] =	wrdreg $0xFFFFFFFF  }
0xa7: {  	s28 =	simm.s32 $_size_execute0_lowered;
	s3 =	sadd.s32 s3, s5;
	[dreg:$0x0] =	wrdreg $0x0  }
0xa8: {  	s5 =	sshll.u32 s28, $0x1;
	[dreg:$0x2] =	wrdreg s3  }
0xa9: {  	[dreg:$0x3] =	wrdreg s5  }
0xaa: {  	[dreg:$0x4] =	wrdreg $0xC0  }
0xab: {  	_ =	task [dreg:s7], $0x5FFFF  }
0xac: {  	[dreg:$0x1] =	wrdreg $0xFFFFFFFF  }
0xad: {  	[dreg:$0x0] =	wrdreg $0x60  }
0xae: {  	[dreg:$0x2] =	wrdreg s24  }
0xaf: {  	[dreg:$0x3] =	wrdreg s2  }
0xb0: {  	[dreg:$0x4] =	wrdreg $0x9  }
0xb1: {  	_ =	task.clear_ibuf [dreg:s7], $0x5FFFF;
	_ =	strace $0x90000046  }
0xb2: {  	s29 =	simm.s32 $0x9;
	_ =	strace $0x80000048  }
0xb3: {  	_ =	swait.ge [sflag:s29], $0x1  }
0xb4: {  	[sflag:s29] =	ssyncadd.s32 $0xFFFFFFFF  }
0xb5: {  	_ =	strace $0x90000048  }
0xb6: {  	_ =	sfence  }
0xb7: {  	s30 =	sld [smem:$0x0];
	_ =	sdelay $0x2  }
0xb8: {  	s31 =	sshll.u32 s1, $0xD;
	s1 =	sshrl.u32 s1, $0x2  }
0xb9: {  	s3 =	sand.u32 $0x4000, s31;
	s1 =	sadd.s32 s1, s30  }
0xba: {  	s0 =	sor.u32 s3, s0;
	s1 =	sshll.u32 s1, $0x11  }
0xbb: {  	s0 =	sor.u32 s1, s0  }
0xbc: {  	s0 =	sadd.s32 $0x8F2B, s0  }
0xbd: {  	[sflag:s0] =	ssyncadd.remote.s32 $0x1  }
0xbe: {  	_ =	sfence.sel $0xFFFF  }
0xbf: {  	[dreg:$0x0] =	wrdreg $0xFFFFFFFF;
	(pc) =	sbr.abs _section_cstart, $3  }
0xc0: {  	[dreg:$0x1] =	wrdreg $0xFFFFFFFF  }
0xc1: {  	_ =	task.clear_ibuf [dreg:s7], $0x2FFFF;
	_ =	strace $0x9FFFFFFF  }
0xc2: {  	(tm) =	ssettm $0x7FFFFFFF  }
0xc3: {  	_ =	shalt  }
tec
execute0_lowered:
.L_overlay_start_1:
0x0: {  	(tag) =	ssettag $0x1  }
0x1: {  	s0 =	rddreg [dreg:$0x0]  }
0x2: {  	s2 =	rddreg [dreg:$0x1]  }
0x3: {  	s1 =	srdreg.scid;
	s10 =	stileid.u32  }
0x4: {  	s3 =	simm.s32 $0x0;
	s28 =	simm.s32 $0x3;
	s29 =	simm.s32 $0x4  }
0x5: {  	s30 =	simm.s32 $0x5;
	s31 =	simm.s32 $0x6;
	s1 =	sand.u32 $0x1, s1  }
0x6: {  	s4 =	sshll.u32 s10, $0x1;
	[smem:$0x7FF] =	sst s3;
	s25 =	smul.u32 $0x32000, s10  }
0x7: {  	s6 =	sadd.s32 $0x400, s0;
	s4 =	sor.u32 s1, s4;
	s12 =	smul.u32 $0x19000, s1  }
0x8: {  	s0 =	sadd.s32 $0x64400, s0;
	s7 =	ssub.s32 $0x2, s1;
	s5 =	smul.u32 $0x19000, s4  }
0x9: {  	_ =	strace $0x80000047;
	s8 =	sshrl.u32 s7, $0x1;
	s9 =	smul.u32 $0x320000, s4  }
0xa: {  	s1 =	smul.u32 $0x64000, s1;
	s7 =	ssub.s32 s7, s8;
	s5 =	sshrl.u32 s5, $0x3  }
0xb: {  	s9 =	sshrl.u32 s9, $0x3;
	s7 =	smax.u32 s7, $0x1;
	s4 =	sadd.s32 s6, s5  }
0xc: {  	s8 =	sadd.s32 s0, s9;
	[dreg:$0xe] =	wrdreg s7;
	s26 =	sadd.s32 $0x64, s4  }
0xd: {  	s5 =	sadd.s32 s12, s25;
	s11 =	sadd.s32 $0xC8, s4;
	[dreg:$0x7] =	wrdreg s26  }
0xe: {  	s13 =	sadd.s32 $0x12C, s4;
	s14 =	sadd.s32 $0x60E00, s8;
	[dreg:$0x8] =	wrdreg s11  }
0xf: {  	s15 =	sadd.s32 $0x61A80, s8;
	s16 =	sadd.s32 $0x62700, s8;
	[dreg:$0x9] =	wrdreg s13  }
0x10: {  	s8 =	sadd.s32 $0x63380, s8;
	s17 =	sadd.s32 $0x15E0, s5;
	[dreg:$0xa] =	wrdreg s14  }
0x11: {  	s19 =	sadd.s32 $0x12C0, s5;
	s20 =	sor.u32 $0xFA0, s5;
	[dreg:$0xb] =	wrdreg s15  }
0x12: {  	s24 =	sor.u32 $0xC80, s5;
	s5 =	sshll.u32 s5, $0x2;
	[dreg:$0xc] =	wrdreg s16  }
0x13: {  	[dreg:$0xd] =	wrdreg s8;
	s18 =	sshrl.u32 s17, $0x3;
	s8 =	sshrl.u32 s19, $0x3  }
0x14: {  	s22 =	sshrl.u32 s20, $0x3;
	s25 =	sshrl.u32 s24, $0x3;
	s5 =	sadd.s32 s5, s0  }
0x15: {  	s26 =	smul.u32 $0xC8000, s10;
	s17 =	simm.s32 $0x9;
	s19 =	simm.s32 $0xC80  }
0x16: {  	s20 =	simm.s32 $0x7080;
	s24 =	simm.s32 $0x13880;
	s7 =	sadd.s32 s18, s6  }
0x17: {  	s21 =	sadd.s32 s8, s6;
	s23 =	sadd.s32 s22, s6;
	s6 =	sadd.s32 s25, s6  }
0x18: {  	s13 =	sadd.s32 $0x2580, s5;
	s14 =	sadd.s32 $0x1900, s5;
	[dreg:$0x3] =	wrdreg s7  }
0x19: {  	s15 =	sadd.s32 $0xC80, s5;
	s18 =	simm.s32 $0x320;
	[dreg:$0x4] =	wrdreg s21  }
0x1a: {  	s22 =	simm.s32 $0xD480;
	s25 =	simm.s32 $0x1;
	[dreg:$0x5] =	wrdreg s23  }
0x1b: {  	s5 =	simm.s32 $0x0;
	[dreg:$0x6] =	wrdreg s6;
	s0 =	sadd.s32 s26, s0  }
0x1c: {  	s21 =	simm.s32 $0x640;
	s23 =	simm.s32 $0x960;
	s26 =	simm.s32 $0x2  }
0x1d: {  	s16 =	sadd.s32 s1, s0;
	s0 =	simm.s32 $0x7;
	s1 =	simm.s32 $0x8  }
.LBB2_1:
0x1e: {  	[tilespmem:s3], [sflag:$0x9] =	stream.linear.gather [hbm4b:s4+s3], $0x320, $0x38;
	[tilespmem:$0x19C80] =	vst v63  }
0x1f: {  	_ =	swait.ge [sflag:s17], $0x320  }
0x20: {  	[sflag:s17] =	ssyncset.done $0x0  }
0x21: {  	[sflag:s17] =	ssyncadd.s32 $0xFFFFFCE0  }
0x22: {  	[tilespmem:s19], [sflag:$0x1] =	stream.indirect.gather [hbm4b:s2+s18], $0x20, s3, s18, $0xb8;
	[tilespmem:$0x19C80] =	vst v63  }
0x23: {  	s6 =	rddreg [dreg:$0x7]  }
0x24: {  	[tilespmem:s18], [sflag:$0x9] =	stream.linear.gather [hbm4b:s6+s3], $0x320, $0x38;
	[tilespmem:$0x19C80] =	vst v63  }
0x25: {  	_ =	swait.ge [sflag:s17], $0x320  }
0x26: {  	[sflag:s17] =	ssyncset.done $0x0  }
0x27: {  	[sflag:s17] =	ssyncadd.s32 $0xFFFFFCE0  }
0x28: {  	[tilespmem:s20], [sflag:$0x2] =	stream.indirect.gather [hbm4b:s2+s18], $0x20, s18, s18, $0xb8;
	[tilespmem:$0x19C80] =	vst v63  }
0x29: {  	s7 =	rddreg [dreg:$0x8]  }
0x2a: {  	[tilespmem:s21], [sflag:$0x9] =	stream.linear.gather [hbm4b:s7+s3], $0x320, $0x38;
	[tilespmem:$0x19C80] =	vst v63  }
0x2b: {  	_ =	swait.ge [sflag:s17], $0x320  }
0x2c: {  	[sflag:s17] =	ssyncset.done $0x0  }
0x2d: {  	[sflag:s17] =	ssyncadd.s32 $0xFFFFFCE0  }
0x2e: {  	[tilespmem:s22], [sflag:$0x3] =	stream.indirect.gather [hbm4b:s2+s18], $0x20, s21, s18, $0xb8;
	[tilespmem:$0x19C80] =	vst v63  }
0x2f: {  	s8 =	rddreg [dreg:$0x9]  }
0x30: {  	[tilespmem:s23], [sflag:$0x9] =	stream.linear.gather [hbm4b:s8+s3], $0x320, $0x38;
	[tilespmem:$0x19C80] =	vst v63  }
0x31: {  	_ =	swait.ge [sflag:s17], $0x320  }
0x32: {  	[sflag:s17] =	ssyncset.done $0x0  }
0x33: {  	[sflag:s17] =	ssyncadd.s32 $0xFFFFFCE0  }
0x34: {  	[tilespmem:s24], [sflag:$0x4] =	stream.indirect.gather [hbm4b:s2+s18], $0x20, s23, s18, $0xb8;
	[tilespmem:$0x19C80] =	vst v63  }
0x35: {  	_ =	swait.ge [sflag:s25], $0x6400  }
0x36: {  	[sflag:s25] =	ssyncset.done $0x0  }
0x37: {  	[sflag:s25] =	ssyncadd.s32 $0xFFFF9C00  }
0x38: {  	[hbm4b:s16+s3] =	stream.linear.scatter [tilespmem:s19], [sflag:$0x5], $0x6400, $0x38;
	[tilespmem:$0x19C80] =	vst v63  }
0x39: {  	_ =	swait.ge [sflag:s26], $0x6400  }
0x3a: {  	[sflag:s26] =	ssyncset.done $0x0  }
0x3b: {  	[sflag:s26] =	ssyncadd.s32 $0xFFFF9C00  }
0x3c: {  	[hbm4b:s15+s3] =	stream.linear.scatter [tilespmem:s20], [sflag:$0x6], $0x6400, $0x38;
	[tilespmem:$0x19C80] =	vst v63  }
0x3d: {  	_ =	swait.ge [sflag:s28], $0x6400  }
0x3e: {  	[sflag:s28] =	ssyncset.done $0x0  }
0x3f: {  	[sflag:s28] =	ssyncadd.s32 $0xFFFF9C00  }
0x40: {  	[hbm4b:s14+s3] =	stream.linear.scatter [tilespmem:s22], [sflag:$0x7], $0x6400, $0x38;
	[tilespmem:$0x19C80] =	vst v63  }
0x41: {  	_ =	swait.ge [sflag:s29], $0x6400  }
0x42: {  	[sflag:s29] =	ssyncset.done $0x0  }
0x43: {  	[sflag:s29] =	ssyncadd.s32 $0xFFFF9C00  }
0x44: {  	[hbm4b:s13+s3] =	stream.linear.scatter [tilespmem:s24], [sflag:$0x8], $0x6400, $0x38;
	[tilespmem:$0x19C80] =	vst v63  }
0x45: {  	_ =	swait.ge [sflag:s30], $0x6400  }
0x46: {  	s9 =	rddreg [dreg:$0x6];
	[sflag:s30] =	ssyncset.done $0x0  }
0x47: {  	[sflag:s30] =	ssyncadd.s32 $0xFFFF9C00;
	s6 =	sadd.s32 $0x0, s9  }
0x48: {  	[tilespmem:s3], [sflag:$0x9] =	stream.linear.gather [hbm4b:s6+s3], $0x320, $0x38;
	[tilespmem:$0x19C80] =	vst v63  }
0x49: {  	_ =	swait.ge [sflag:s17], $0x320  }
0x4a: {  	[sflag:s17] =	ssyncset.done $0x0  }
0x4b: {  	[sflag:s17] =	ssyncadd.s32 $0xFFFFFCE0  }
0x4c: {  	[tilespmem:s19], [sflag:$0x1] =	stream.indirect.gather [hbm4b:s2+s18], $0x20, s3, s18, $0xb8;
	[tilespmem:$0x19C80] =	vst v63  }
0x4d: {  	_ =	swait.ge [sflag:s31], $0x6400  }
0x4e: {  	s10 =	rddreg [dreg:$0x5];
	[sflag:s31] =	ssyncset.done $0x0  }
0x4f: {  	[sflag:s31] =	ssyncadd.s32 $0xFFFF9C00;
	s6 =	sadd.s32 $0x0, s10  }
0x50: {  	[tilespmem:s18], [sflag:$0x9] =	stream.linear.gather [hbm4b:s6+s3], $0x320, $0x38;
	[tilespmem:$0x19C80] =	vst v63  }
0x51: {  	_ =	swait.ge [sflag:s17], $0x320  }
0x52: {  	[sflag:s17] =	ssyncset.done $0x0  }
0x53: {  	[sflag:s17] =	ssyncadd.s32 $0xFFFFFCE0  }
0x54: {  	[tilespmem:s20], [sflag:$0x2] =	stream.indirect.gather [hbm4b:s2+s18], $0x20, s18, s18, $0xb8;
	[tilespmem:$0x19C80] =	vst v63  }
0x55: {  	_ =	swait.ge [sflag:s0], $0x6400  }
0x56: {  	s11 =	rddreg [dreg:$0x4];
	[sflag:s0] =	ssyncset.done $0x0  }
0x57: {  	[sflag:s0] =	ssyncadd.s32 $0xFFFF9C00;
	s6 =	sadd.s32 $0x0, s11  }
0x58: {  	[tilespmem:s21], [sflag:$0x9] =	stream.linear.gather [hbm4b:s6+s3], $0x320, $0x38;
	[tilespmem:$0x19C80] =	vst v63  }
0x59: {  	_ =	swait.ge [sflag:s17], $0x320  }
0x5a: {  	[sflag:s17] =	ssyncset.done $0x0  }
0x5b: {  	[sflag:s17] =	ssyncadd.s32 $0xFFFFFCE0  }
0x5c: {  	[tilespmem:s22], [sflag:$0x3] =	stream.indirect.gather [hbm4b:s2+s18], $0x20, s21, s18, $0xb8;
	[tilespmem:$0x19C80] =	vst v63  }
0x5d: {  	_ =	swait.ge [sflag:s1], $0x6400  }
0x5e: {  	s12 =	rddreg [dreg:$0x3];
	[sflag:s1] =	ssyncset.done $0x0  }
0x5f: {  	[sflag:s1] =	ssyncadd.s32 $0xFFFF9C00;
	s6 =	sadd.s32 $0x0, s12  }
0x60: {  	[tilespmem:s23], [sflag:$0x9] =	stream.linear.gather [hbm4b:s6+s3], $0x320, $0x38;
	[tilespmem:$0x19C80] =	vst v63  }
0x61: {  	s7 =	sadd.s32 $0x3200, s15;
	_ =	swait.ge [sflag:s17], $0x320  }
0x62: {  	s8 =	sadd.s32 $0x3200, s16;
	s9 =	sadd.s32 $0x3200, s13;
	[sflag:s17] =	ssyncset.done $0x0  }
0x63: {  	s10 =	sadd.s32 $0x3200, s14;
	s6 =	simm.s32 $0x190;
	[sflag:s17] =	ssyncadd.s32 $0xFFFFFCE0  }
.LBB2_2:
0x64: {  	[tilespmem:s24], [sflag:$0x4] =	stream.indirect.gather [hbm4b:s2+s18], $0x20, s23, s18, $0xb8;
	[tilespmem:$0x19C80] =	vst v63  }
0x65: {  	_ =	swait.ge [sflag:s25], $0x6400  }
0x66: {  	[sflag:s25] =	ssyncset.done $0x0  }
0x67: {  	[sflag:s25] =	ssyncadd.s32 $0xFFFF9C00  }
0x68: {  	[hbm4b:s8+s3] =	stream.linear.scatter [tilespmem:s19], [sflag:$0x5], $0x6400, $0x38;
	[tilespmem:$0x19C80] =	vst v63  }
0x69: {  	_ =	swait.ge [sflag:s26], $0x6400  }
0x6a: {  	[sflag:s26] =	ssyncset.done $0x0  }
0x6b: {  	[sflag:s26] =	ssyncadd.s32 $0xFFFF9C00  }
0x6c: {  	[hbm4b:s7+s3] =	stream.linear.scatter [tilespmem:s20], [sflag:$0x6], $0x6400, $0x38;
	[tilespmem:$0x19C80] =	vst v63  }
0x6d: {  	_ =	swait.ge [sflag:s28], $0x6400  }
0x6e: {  	[sflag:s28] =	ssyncset.done $0x0  }
0x6f: {  	[sflag:s28] =	ssyncadd.s32 $0xFFFF9C00  }
0x70: {  	[hbm4b:s10+s3] =	stream.linear.scatter [tilespmem:s22], [sflag:$0x7], $0x6400, $0x38;
	[tilespmem:$0x19C80] =	vst v63  }
0x71: {  	_ =	swait.ge [sflag:s29], $0x6400  }
0x72: {  	[sflag:s29] =	ssyncset.done $0x0  }
0x73: {  	[sflag:s29] =	ssyncadd.s32 $0xFFFF9C00  }
0x74: {  	[hbm4b:s9+s3] =	stream.linear.scatter [tilespmem:s24], [sflag:$0x8], $0x6400, $0x38;
	[tilespmem:$0x19C80] =	vst v63  }
0x75: {  	_ =	swait.ge [sflag:s30], $0x6400  }
0x76: {  	s11 =	smov.u32 s6;
	s12 =	rddreg [dreg:$0x6];
	[sflag:s30] =	ssyncset.done $0x0  }
0x77: {  	[sflag:s30] =	ssyncadd.s32 $0xFFFF9C00;
	s12 =	sadd.s32 s11, s12  }
0x78: {  	[tilespmem:s3], [sflag:$0x9] =	stream.linear.gather [hbm4b:s12+s3], $0x320, $0x38;
	[tilespmem:$0x19C80] =	vst v63  }
0x79: {  	_ =	swait.ge [sflag:s17], $0x320  }
0x7a: {  	[sflag:s17] =	ssyncset.done $0x0  }
0x7b: {  	[sflag:s17] =	ssyncadd.s32 $0xFFFFFCE0  }
0x7c: {  	[tilespmem:s19], [sflag:$0x1] =	stream.indirect.gather [hbm4b:s2+s18], $0x20, s3, s18, $0xb8;
	[tilespmem:$0x19C80] =	vst v63  }
0x7d: {  	_ =	swait.ge [sflag:s31], $0x6400  }
0x7e: {  	s12 =	rddreg [dreg:$0x5];
	[sflag:s31] =	ssyncset.done $0x0  }
0x7f: {  	[sflag:s31] =	ssyncadd.s32 $0xFFFF9C00;
	s12 =	sadd.s32 s11, s12  }
0x80: {  	[tilespmem:s18], [sflag:$0x9] =	stream.linear.gather [hbm4b:s12+s3], $0x320, $0x38;
	[tilespmem:$0x19C80] =	vst v63  }
0x81: {  	_ =	swait.ge [sflag:s17], $0x320  }
0x82: {  	[sflag:s17] =	ssyncset.done $0x0  }
0x83: {  	[sflag:s17] =	ssyncadd.s32 $0xFFFFFCE0  }
0x84: {  	[tilespmem:s20], [sflag:$0x2] =	stream.indirect.gather [hbm4b:s2+s18], $0x20, s18, s18, $0xb8;
	[tilespmem:$0x19C80] =	vst v63  }
0x85: {  	_ =	swait.ge [sflag:s0], $0x6400  }
0x86: {  	s12 =	rddreg [dreg:$0x4];
	[sflag:s0] =	ssyncset.done $0x0  }
0x87: {  	[sflag:s0] =	ssyncadd.s32 $0xFFFF9C00;
	s12 =	sadd.s32 s11, s12  }
0x88: {  	[tilespmem:s21], [sflag:$0x9] =	stream.linear.gather [hbm4b:s12+s3], $0x320, $0x38;
	[tilespmem:$0x19C80] =	vst v63  }
0x89: {  	_ =	swait.ge [sflag:s17], $0x320  }
0x8a: {  	[sflag:s17] =	ssyncset.done $0x0  }
0x8b: {  	[sflag:s17] =	ssyncadd.s32 $0xFFFFFCE0  }
0x8c: {  	[tilespmem:s22], [sflag:$0x3] =	stream.indirect.gather [hbm4b:s2+s18], $0x20, s21, s18, $0xb8;
	[tilespmem:$0x19C80] =	vst v63  }
0x8d: {  	_ =	swait.ge [sflag:s1], $0x6400  }
0x8e: {  	p0 =	sne.s32 s6, $0x2EE0;
	s12 =	rddreg [dreg:$0x3];
	[sflag:s1] =	ssyncset.done $0x0  }
.Ltmp0:
0x8f: {  	[sflag:s1] =	ssyncadd.s32 $0xFFFF9C00;
	s11 =	sadd.s32 s11, s12;
	(pc) =	sbr.rel @p0 .LBB2_2-.Ltmp0, $4  }
0x90: {  	[tilespmem:s23], [sflag:$0x9] =	stream.linear.gather [hbm4b:s11+s3], $0x320, $0x38;
	[tilespmem:$0x19C80] =	vst v63  }
0x91: {  	s6 =	sadd.s32 $0x190, s6;
	_ =	swait.ge [sflag:s17], $0x320  }
0x92: {  	s8 =	sadd.s32 $0x3200, s8;
	s7 =	sadd.s32 $0x3200, s7;
	[sflag:s17] =	ssyncset.done $0x0  }
0x93: {  	s10 =	sadd.s32 $0x3200, s10;
	s9 =	sadd.s32 $0x3200, s9;
	[sflag:s17] =	ssyncadd.s32 $0xFFFFFCE0  }
0x94: {  	[tilespmem:s24], [sflag:$0x4] =	stream.indirect.gather [hbm4b:s2+s18], $0x20, s23, s18, $0xb8;
	[tilespmem:$0x19C80] =	vst v63  }
0x95: {  	_ =	swait.ge [sflag:s25], $0x6400  }
0x96: {  	[sflag:s25] =	ssyncset.done $0x0  }
0x97: {  	s6 =	rddreg [dreg:$0xa];
	[sflag:s25] =	ssyncadd.s32 $0xFFFF9C00  }
0x98: {  	[hbm4b:s6+s3] =	stream.linear.scatter [tilespmem:s19], [sflag:$0x5], $0x6400, $0x38;
	[tilespmem:$0x19C80] =	vst v63  }
0x99: {  	_ =	swait.ge [sflag:s26], $0x6400  }
0x9a: {  	[sflag:s26] =	ssyncset.done $0x0  }
0x9b: {  	s9 =	rddreg [dreg:$0xb];
	[sflag:s26] =	ssyncadd.s32 $0xFFFF9C00  }
0x9c: {  	[hbm4b:s9+s3] =	stream.linear.scatter [tilespmem:s20], [sflag:$0x6], $0x6400, $0x38;
	[tilespmem:$0x19C80] =	vst v63  }
0x9d: {  	_ =	swait.ge [sflag:s28], $0x6400  }
0x9e: {  	[sflag:s28] =	ssyncset.done $0x0  }
0x9f: {  	s10 =	rddreg [dreg:$0xc];
	[sflag:s28] =	ssyncadd.s32 $0xFFFF9C00  }
0xa0: {  	[hbm4b:s10+s3] =	stream.linear.scatter [tilespmem:s22], [sflag:$0x7], $0x6400, $0x38;
	[tilespmem:$0x19C80] =	vst v63  }
0xa1: {  	_ =	swait.ge [sflag:s29], $0x6400  }
0xa2: {  	[sflag:s29] =	ssyncset.done $0x0  }
0xa3: {  	s11 =	rddreg [dreg:$0xd];
	[sflag:s29] =	ssyncadd.s32 $0xFFFF9C00  }
0xa4: {  	[hbm4b:s11+s3] =	stream.linear.scatter [tilespmem:s24], [sflag:$0x8], $0x6400, $0x38;
	[tilespmem:$0x19C80] =	vst v63  }
0xa5: {  	_ =	swait.ge [sflag:s30], $0x6400  }
0xa6: {  	[sflag:s30] =	ssyncset.done $0x0  }
0xa7: {  	[sflag:s30] =	ssyncadd.s32 $0xFFFF9C00  }
0xa8: {  	_ =	swait.ge [sflag:s31], $0x6400  }
0xa9: {  	[sflag:s31] =	ssyncset.done $0x0  }
0xaa: {  	[sflag:s31] =	ssyncadd.s32 $0xFFFF9C00  }
0xab: {  	_ =	swait.ge [sflag:s0], $0x6400  }
0xac: {  	[sflag:s0] =	ssyncset.done $0x0  }
0xad: {  	[sflag:s0] =	ssyncadd.s32 $0xFFFF9C00  }
0xae: {  	_ =	swait.ge [sflag:s1], $0x6400  }
0xaf: {  	s5 =	sadd.s32 $0x1, s5;
	s12 =	rddreg [dreg:$0xe]  }
0xb0: {  	p0 =	sne.s32 s5, s12  }
.Ltmp1:
0xb1: {  	_ = 	snop;
	(pc) =	sbr.rel @p0 .LBB2_1-.Ltmp1, $3  }
0xb2: {  	_ =	sdelay $0x1  }
0xb3: {  	[sflag:s1] =	ssyncset.done $0x0  }
0xb4: {  	[sflag:s1] =	ssyncadd.s32 $0xFFFF9C00  }
0xb5: {  	_ =	sfence.sel $0x180000  }
0xb6: {  	[bflag:$0x0] =	sbarrier.arrive $0xFFFF  }
0xb7: {  	_ =	strace $0x90000047  }
0xb8: {  	s0 =	stileid.u32;
	[bflag:$0x2] =	sbarrier.arrive $0xFFFF  }
0xb9: {  	p0 =	sne.s32 s0, $0x0;
	s0 =	rddreg [dreg:$0x2]  }
0xba: {  	s0 =	sadd.s32 @!p0 $0x100000, s0  }
0xbb: {  	[sflag:s0] =	ssyncadd.tile.s32 @!p0 $0x1;
	_ =	shalt  }
.Lfunc_end2:
_tile_overlayer_lowered:
.L_overlay_start_2:
0xbc: {  	(tag) =	ssettag $0x2  }
0xbd: {  	s0 =	rddreg [dreg:$0x0];
	s2 =	stileid.u32  }
0xbe: {  	s1 =	rddreg [dreg:$0x1];
	p0 =	sne.s32 s2, $0x0  }
0xbf: {  	s3 =	rddreg [dreg:$0x2];
	[bflag:$0x3] =	sbarrier.arrive $0xFFFF;
	s2 =	simm.s32 @!p0 $0x1C09  }
0xc0: {  	[timem:s3], [sflag:s2] =	dma.local @!p0 [hbm:s0], s1  }
0xc1: {  	s0 =	simm.s32 @!p0 $0x9  }
0xc2: {  	_ =	swait.ge @!p0 [sflag:s0], s1  }
0xc3: {  	s1 =	ssub.s32 @!p0 $0x0, s1;
	[sflag:s0] =	ssyncset.done @!p0 $0x0  }
0xc4: {  	[sflag:s0] =	ssyncadd.s32 @!p0 s1  }
0xc5: {  	[bflag:$0x3] =	sbarrier.arrive $0xFFFF  }
0xc6: {  	_ =	shalt  }

</sc_bundles>
